<compile_context>
chip_gen: v7x
topology: tpu7x:2x2x1
jax: 0.10.2.dev20260603
libtpu: 0.0.44.dev20260713+nightly
codegen_flags: <defaults>
</compile_context>

<pallas_src>
import jax
import jax.numpy as jnp
from jax import lax
from jax.experimental import pallas as pl
from jax.experimental.pallas import tpu as pltpu
from jax.experimental.pallas import tpu_sc as plsc

_B = 16384
_LANES = 16
_TILES = 16
_ROWS_PER_TILE = _B // _TILES
_CHUNK = 256



def _sc_body(ig_hbm, sc_hbm, sib_hbm, igm_hbm, scm_hbm, cnt_hbm, opn_hbm,
             ig_v, sc_v, igm_v, scm_v, sib_v, cnt_v, opn_v, tot_smem):
    cid = lax.axis_index("c")
    sid = lax.axis_index("s")

    @pl.when(cid == 0)
    def _core0():
        base = sid * _ROWS_PER_TILE
        pltpu.sync_copy(sib_hbm, sib_v)
        sib16 = sib_v[...]
        iota16 = lax.iota(jnp.int32, 16)
        acc = jnp.zeros((_LANES,), jnp.int32)

        for c in range(_ROWS_PER_TILE // _CHUNK):
            cb = base + c * _CHUNK
            pltpu.sync_copy(ig_hbm.at[pl.ds(cb, _CHUNK)], ig_v)
            pltpu.sync_copy(sc_hbm.at[pl.ds(cb, _CHUNK)], sc_v)

            def step(j, acc, c=c):
                row = j * _LANES + iota16
                dst = c * _CHUNK + j * _LANES
                igm_v[pl.ds(dst, _LANES)] = plsc.load_gather(
                    ig_v, [row, sib16])
                scx = plsc.load_gather(sc_v, [row, sib16])
                scm_v[pl.ds(dst, _LANES)] = scx
                return acc + scx

            acc = lax.fori_loop(0, _CHUNK // _LANES, step, acc)

        pltpu.sync_copy(igm_v, igm_hbm.at[pl.ds(base, _ROWS_PER_TILE)])
        pltpu.sync_copy(scm_v, scm_hbm.at[pl.ds(base, _ROWS_PER_TILE)])

        my_sum = jnp.sum(acc)

        @pl.when(sid == 0)
        def _init():
            tot_smem[0] = jnp.int32(0)

        plsc.subcore_barrier()
        plsc.fetch_and_add(tot_smem.at[0], my_sum, subcore_id=0)
        plsc.subcore_barrier()

        @pl.when(sid == 0)
        def _finalize():
            total = tot_smem[0].astype(jnp.float32)
            cnt_v[...] = jnp.broadcast_to(total, (_LANES,))
            opn_v[...] = jnp.broadcast_to(
                (total > 0.0).astype(jnp.int32), (_LANES,))
            pltpu.sync_copy(cnt_v, cnt_hbm)
            pltpu.sync_copy(opn_v, opn_hbm)


@jax.jit
def _sc_call(parent_ig_matrix, parent_sc_matrix, sib16):
    mesh = plsc.VectorSubcoreMesh(core_axis_name="c", subcore_axis_name="s")
    run = pl.kernel(
        _sc_body,
        out_type=[
            jax.ShapeDtypeStruct((_B,), jnp.int32),
            jax.ShapeDtypeStruct((_B,), jnp.int32),
            jax.ShapeDtypeStruct((_LANES,), jnp.float32),
            jax.ShapeDtypeStruct((_LANES,), jnp.int32),
        ],
        mesh=mesh,
        scratch_types=[
            pltpu.VMEM((_CHUNK, 2), jnp.int32),
            pltpu.VMEM((_CHUNK, 2), jnp.int32),
            pltpu.VMEM((_ROWS_PER_TILE,), jnp.int32),
            pltpu.VMEM((_ROWS_PER_TILE,), jnp.int32),
            pltpu.VMEM((_LANES,), jnp.int32),
            pltpu.VMEM((_LANES,), jnp.float32),
            pltpu.VMEM((_LANES,), jnp.int32),
            pltpu.SMEM((1,), jnp.int32),
        ],
        compiler_params=pltpu.CompilerParams(needs_layout_passes=False),
        name="cign_masking_sc",
    )
    return run(parent_ig_matrix, parent_sc_matrix, sib16)



_N_BLK = 8
_RB = _B // _N_BLK


def _tc_f_body(f_ref, h_ref, fo_ref, ho_ref):
    fo_ref[...] = f_ref[...]
    ho_ref[...] = h_ref[...]


@jax.jit
def _tc_f_call(f_input, h_input):
    return pl.pallas_call(
        _tc_f_body,
        grid=(_N_BLK,),
        in_specs=[pl.BlockSpec((_RB, 1024), lambda i: (i, 0)),
                  pl.BlockSpec((_RB, 128), lambda i: (i, 0))],
        out_specs=[pl.BlockSpec((_RB, 1024), lambda i: (i, 0)),
                   pl.BlockSpec((_RB, 128), lambda i: (i, 0))],
        out_shape=[jax.ShapeDtypeStruct((_B, 1024), jnp.float32),
                   jax.ShapeDtypeStruct((_B, 128), jnp.float32)],
    )(f_input, h_input)


def kernel(f_input, h_input, parent_ig_matrix, parent_sc_matrix, sibling_index):
    sib16 = jnp.full((_LANES,), sibling_index, dtype=jnp.int32)
    igm, scm, cnt, opn = _sc_call(parent_ig_matrix, parent_sc_matrix, sib16)
    f_out, h_out = _tc_f_call(f_input, h_input)
    sample_count = cnt[0]
    is_node_open = opn[0].astype(jnp.bool_)
    return (f_out, h_out, igm, scm, sample_count, is_node_open)

# --- scband reference (transcript-rebuilt; emitter-appended) ---
"""Pipeline reference for scband-cign-masking-layer-84396107366760 (READ-ONLY COPY).

The authoritative reference and input builder live on the scoring server;
editing this copy changes nothing except your own understanding.
"""

import jax, jax.numpy as jnp
import numpy as np


def setup_inputs(seed: int = 0) -> dict:
    key = jax.random.key(seed)
    k1, k2, k3, k4 = jax.random.split(key, 4)
    B = 16384
    f_input = jax.random.normal(k1, (B, 1024), dtype=jnp.float32)
    h_input = jax.random.normal(k2, (B, 128), dtype=jnp.float32)
    parent_ig_matrix = jax.random.randint(k3, (B, 2), 0, 2).astype(jnp.int32)
    parent_sc_matrix = jax.random.randint(k4, (B, 2), 0, 2).astype(jnp.int32)
    return {
        "f_input": f_input,
        "h_input": h_input,
        "parent_ig_matrix": parent_ig_matrix,
        "parent_sc_matrix": parent_sc_matrix,
        "sibling_index": 1,
    }


def reference(f_input, h_input, parent_ig_matrix, parent_sc_matrix, sibling_index):
    # Faithful translation of CignMaskingLayer.call
    ig_mask = parent_ig_matrix[:, sibling_index]
    sc_mask = parent_sc_matrix[:, sibling_index]
    sample_count = jnp.sum(sc_mask.astype(jnp.float32))
    is_node_open = sample_count > 0.0
    return (f_input, h_input, ig_mask, sc_mask, sample_count, is_node_open)

if __name__ == "__main__":
    import jax
    _d = setup_inputs()
    print(jax.jit(kernel)(*tuple(_d.values())))

</pallas_src>

<mosaic_0001>
#map = affine_map<(d0, d1) -> (0, 0)>
#map1 = affine_map<(d0, d1) -> (0)>
module attributes {stable_mosaic.version = 14 : i64} {
  func.func @cign_masking_sc(%arg0: i32, %arg1: i32, %arg2: memref<16384x2xi32, #tpu.memory_space<hbm>>, %arg3: memref<16384x2xi32, #tpu.memory_space<hbm>>, %arg4: memref<16xi32, #tpu.memory_space<hbm>>, %arg5: memref<16384xi32, #tpu.memory_space<hbm>>, %arg6: memref<16384xi32, #tpu.memory_space<hbm>>, %arg7: memref<16xf32, #tpu.memory_space<hbm>>, %arg8: memref<16xi32, #tpu.memory_space<hbm>>, %arg9: memref<256x2xi32, #tpu.memory_space<vmem>>, %arg10: memref<256x2xi32, #tpu.memory_space<vmem>>, %arg11: memref<1024xi32, #tpu.memory_space<vmem>>, %arg12: memref<1024xi32, #tpu.memory_space<vmem>>, %arg13: memref<16xi32, #tpu.memory_space<vmem>>, %arg14: memref<16xf32, #tpu.memory_space<vmem>>, %arg15: memref<16xi32, #tpu.memory_space<vmem>>, %arg16: memref<1xi32, #tpu.memory_space<smem>>) attributes {dimension_semantics = [#tpu.dimension_semantics<core_parallel>, #tpu.dimension_semantics<subcore_parallel>], iteration_bounds = array<i64: 2, 16>, scalar_prefetch = 0 : i64, scratch_operands = 8 : i64, tpu.core_type = #tpu.core_type<sc_vector_subcore>, window_params = [{transform_indices = #map}, {transform_indices = #map}, {transform_indices = #map1}, {transform_indices = #map1}, {transform_indices = #map1}, {transform_indices = #map1}, {transform_indices = #map1}]} {
    %eq3A = arith.constant 0 : i32
    %eq3A_0 = arith.cmpi eq, %arg0, %eq3A : i32
    %convert_element_type3A = arith.extui %eq3A_0 : i1 to i32
    %cond3A = arith.constant 0 : i32
    %cond3A_1 = arith.cmpi ne, %convert_element_type3A, %cond3A : i32
    scf.if %cond3A_1 {
      %mul3A = arith.constant 1024 : i32
      %mul3A_2 = arith.muli %arg1, %mul3A : i32
      "tpu.region"() ({
        %run_scoped3A = tpu.sem_alloc : memref<!tpu.dma_semaphore, #tpu.memory_space<semaphore_mem>>
        tpu.enqueue_dma source(%arg4 : memref<16xi32, #tpu.memory_space<hbm>>) target(%arg13 : memref<16xi32, #tpu.memory_space<vmem>>) target_semaphore(%run_scoped3A : memref<!tpu.dma_semaphore, #tpu.memory_space<semaphore_mem>>)
        tpu.wait_dma2 semaphore(%run_scoped3A : memref<!tpu.dma_semaphore, #tpu.memory_space<semaphore_mem>>) src(%arg4 : memref<16xi32, #tpu.memory_space<hbm>>) dst(%arg13 : memref<16xi32, #tpu.memory_space<vmem>>)
        tpu.yield
      }) : () -> ()
      %get3A = arith.constant 0 : index
      %get3A_3 = tpu.vector_load %arg13[%get3A] {strides = array<i32>} : memref<16xi32, #tpu.memory_space<vmem>>, vector<16xi32>,
      %iota3A = tpu.iota {dimensions = array<i32: 0>} : vector<16xi32>
      %broadcast_in_dim3A = arith.constant 0 : i32
      %broadcast_in_dim3A_4 = vector.broadcast %broadcast_in_dim3A : i32 to vector<16xi32>
      %add3A = arith.constant 0 : i32
      %add3A_5 = arith.addi %mul3A_2, %add3A : i32
      "tpu.region"() ({
        %run_scoped3A = tpu.sem_alloc : memref<!tpu.dma_semaphore, #tpu.memory_space<semaphore_mem>>
        %dma_start3A = arith.constant 0 : i32
        %dma_start3A_51 = tpu.memref_slice %arg2[%add3A_5, %dma_start3A] : memref<16384x2xi32, #tpu.memory_space<hbm>> -> memref<256x2xi32, #tpu.memory_space<hbm>>
        %dma_start3A_52 = arith.constant 0 : i32
        %dma_start3A_53 = tpu.memref_slice %arg2[%add3A_5, %dma_start3A_52] : memref<16384x2xi32, #tpu.memory_space<hbm>> -> memref<256x2xi32, #tpu.memory_space<hbm>>
        tpu.enqueue_dma source(%dma_start3A_53 : memref<256x2xi32, #tpu.memory_space<hbm>>) target(%arg9 : memref<256x2xi32, #tpu.memory_space<vmem>>) target_semaphore(%run_scoped3A : memref<!tpu.dma_semaphore, #tpu.memory_space<semaphore_mem>>)
        %dma_wait3A = arith.constant 0 : i32
        %dma_wait3A_54 = tpu.memref_slice %arg2[%add3A_5, %dma_wait3A] : memref<16384x2xi32, #tpu.memory_space<hbm>> -> memref<256x2xi32, #tpu.memory_space<hbm>>
        %dma_wait3A_55 = arith.constant 0 : i32
        %dma_wait3A_56 = tpu.memref_slice %arg2[%add3A_5, %dma_wait3A_55] : memref<16384x2xi32, #tpu.memory_space<hbm>> -> memref<256x2xi32, #tpu.memory_space<hbm>>
        tpu.wait_dma2 semaphore(%run_scoped3A : memref<!tpu.dma_semaphore, #tpu.memory_space<semaphore_mem>>) src(%dma_wait3A_56 : memref<256x2xi32, #tpu.memory_space<hbm>>) dst(%arg9 : memref<256x2xi32, #tpu.memory_space<vmem>>)
        tpu.yield
      }) : () -> ()
      "tpu.region"() ({
        %run_scoped3A = tpu.sem_alloc : memref<!tpu.dma_semaphore, #tpu.memory_space<semaphore_mem>>
        %dma_start3A = arith.constant 0 : i32
        %dma_start3A_51 = tpu.memref_slice %arg3[%add3A_5, %dma_start3A] : memref<16384x2xi32, #tpu.memory_space<hbm>> -> memref<256x2xi32, #tpu.memory_space<hbm>>
        %dma_start3A_52 = arith.constant 0 : i32
        %dma_start3A_53 = tpu.memref_slice %arg3[%add3A_5, %dma_start3A_52] : memref<16384x2xi32, #tpu.memory_space<hbm>> -> memref<256x2xi32, #tpu.memory_space<hbm>>
        tpu.enqueue_dma source(%dma_start3A_53 : memref<256x2xi32, #tpu.memory_space<hbm>>) target(%arg10 : memref<256x2xi32, #tpu.memory_space<vmem>>) target_semaphore(%run_scoped3A : memref<!tpu.dma_semaphore, #tpu.memory_space<semaphore_mem>>)
        %dma_wait3A = arith.constant 0 : i32
        %dma_wait3A_54 = tpu.memref_slice %arg3[%add3A_5, %dma_wait3A] : memref<16384x2xi32, #tpu.memory_space<hbm>> -> memref<256x2xi32, #tpu.memory_space<hbm>>
        %dma_wait3A_55 = arith.constant 0 : i32
        %dma_wait3A_56 = tpu.memref_slice %arg3[%add3A_5, %dma_wait3A_55] : memref<16384x2xi32, #tpu.memory_space<hbm>> -> memref<256x2xi32, #tpu.memory_space<hbm>>
        tpu.wait_dma2 semaphore(%run_scoped3A : memref<!tpu.dma_semaphore, #tpu.memory_space<semaphore_mem>>) src(%dma_wait3A_56 : memref<256x2xi32, #tpu.memory_space<hbm>>) dst(%arg10 : memref<256x2xi32, #tpu.memory_space<vmem>>)
        tpu.yield
      }) : () -> ()
      %scan3A = arith.constant 0 : i32
      %scan3A_6 = arith.constant 16 : i32
      %scan3A_7 = arith.addi %scan3A, %scan3A_6 : i32
      %scan3A_8 = arith.constant 1 : i32
      %scan3A_9 = scf.for %scan3A_51 = %scan3A to %scan3A_7 step %scan3A_8 iter_args(%scan3A_52 = %broadcast_in_dim3A_4) -> (vector<16xi32>)  : i32 {
        %mul3A_53 = arith.constant 16 : i32
        %mul3A_54 = arith.muli %scan3A_51, %mul3A_53 : i32
        %add3A_55 = vector.broadcast %mul3A_54 : i32 to vector<16xi32>
        %add3A_56 = arith.addi %add3A_55, %iota3A : vector<16xi32>
        %mul3A_57 = arith.constant 16 : i32
        %mul3A_58 = arith.muli %scan3A_51, %mul3A_57 : i32
        %add3A_59 = arith.constant 0 : i32
        %add3A_60 = arith.addi %add3A_59, %mul3A_58 : i32
        %gather3A = tpu.vector_load_idx %arg9[%add3A_56, %get3A_3] : memref<256x2xi32, #tpu.memory_space<vmem>>[vector<16xi32>, vector<16xi32>], vector<16xi32>,
        %swap3A = arith.index_cast %add3A_60 : i32 to index
        %swap3A_61 = tpu.vector_load %arg11[%swap3A] {strides = array<i32>} : memref<1024xi32, #tpu.memory_space<vmem>>, vector<16xi32>,
        tpu.vector_store %arg11[%swap3A], %gather3A {strides = array<i32>} : memref<1024xi32, #tpu.memory_space<vmem>>, vector<16xi32>,
        %gather3A_62 = tpu.vector_load_idx %arg10[%add3A_56, %get3A_3] : memref<256x2xi32, #tpu.memory_space<vmem>>[vector<16xi32>, vector<16xi32>], vector<16xi32>,
        %swap3A_63 = arith.index_cast %add3A_60 : i32 to index
        %swap3A_64 = tpu.vector_load %arg12[%swap3A_63] {strides = array<i32>} : memref<1024xi32, #tpu.memory_space<vmem>>, vector<16xi32>,
        tpu.vector_store %arg12[%swap3A_63], %gather3A_62 {strides = array<i32>} : memref<1024xi32, #tpu.memory_space<vmem>>, vector<16xi32>,
        %add3A_65 = arith.addi %scan3A_52, %gather3A_62 : vector<16xi32>
        scf.yield %add3A_65 : vector<16xi32>
      }
      %scan3A_10 = arith.constant 16 : i32
      %add3A_11 = arith.constant 256 : i32
      %add3A_12 = arith.addi %mul3A_2, %add3A_11 : i32
      "tpu.region"() ({
        %run_scoped3A = tpu.sem_alloc : memref<!tpu.dma_semaphore, #tpu.memory_space<semaphore_mem>>
        %dma_start3A = arith.constant 0 : i32
        %dma_start3A_51 = tpu.memref_slice %arg2[%add3A_12, %dma_start3A] : memref<16384x2xi32, #tpu.memory_space<hbm>> -> memref<256x2xi32, #tpu.memory_space<hbm>>
        %dma_start3A_52 = arith.constant 0 : i32
        %dma_start3A_53 = tpu.memref_slice %arg2[%add3A_12, %dma_start3A_52] : memref<16384x2xi32, #tpu.memory_space<hbm>> -> memref<256x2xi32, #tpu.memory_space<hbm>>
        tpu.enqueue_dma source(%dma_start3A_53 : memref<256x2xi32, #tpu.memory_space<hbm>>) target(%arg9 : memref<256x2xi32, #tpu.memory_space<vmem>>) target_semaphore(%run_scoped3A : memref<!tpu.dma_semaphore, #tpu.memory_space<semaphore_mem>>)
        %dma_wait3A = arith.constant 0 : i32
        %dma_wait3A_54 = tpu.memref_slice %arg2[%add3A_12, %dma_wait3A] : memref<16384x2xi32, #tpu.memory_space<hbm>> -> memref<256x2xi32, #tpu.memory_space<hbm>>
        %dma_wait3A_55 = arith.constant 0 : i32
        %dma_wait3A_56 = tpu.memref_slice %arg2[%add3A_12, %dma_wait3A_55] : memref<16384x2xi32, #tpu.memory_space<hbm>> -> memref<256x2xi32, #tpu.memory_space<hbm>>
        tpu.wait_dma2 semaphore(%run_scoped3A : memref<!tpu.dma_semaphore, #tpu.memory_space<semaphore_mem>>) src(%dma_wait3A_56 : memref<256x2xi32, #tpu.memory_space<hbm>>) dst(%arg9 : memref<256x2xi32, #tpu.memory_space<vmem>>)
        tpu.yield
      }) : () -> ()
      "tpu.region"() ({
        %run_scoped3A = tpu.sem_alloc : memref<!tpu.dma_semaphore, #tpu.memory_space<semaphore_mem>>
        %dma_start3A = arith.constant 0 : i32
        %dma_start3A_51 = tpu.memref_slice %arg3[%add3A_12, %dma_start3A] : memref<16384x2xi32, #tpu.memory_space<hbm>> -> memref<256x2xi32, #tpu.memory_space<hbm>>
        %dma_start3A_52 = arith.constant 0 : i32
        %dma_start3A_53 = tpu.memref_slice %arg3[%add3A_12, %dma_start3A_52] : memref<16384x2xi32, #tpu.memory_space<hbm>> -> memref<256x2xi32, #tpu.memory_space<hbm>>
        tpu.enqueue_dma source(%dma_start3A_53 : memref<256x2xi32, #tpu.memory_space<hbm>>) target(%arg10 : memref<256x2xi32, #tpu.memory_space<vmem>>) target_semaphore(%run_scoped3A : memref<!tpu.dma_semaphore, #tpu.memory_space<semaphore_mem>>)
        %dma_wait3A = arith.constant 0 : i32
        %dma_wait3A_54 = tpu.memref_slice %arg3[%add3A_12, %dma_wait3A] : memref<16384x2xi32, #tpu.memory_space<hbm>> -> memref<256x2xi32, #tpu.memory_space<hbm>>
        %dma_wait3A_55 = arith.constant 0 : i32
        %dma_wait3A_56 = tpu.memref_slice %arg3[%add3A_12, %dma_wait3A_55] : memref<16384x2xi32, #tpu.memory_space<hbm>> -> memref<256x2xi32, #tpu.memory_space<hbm>>
        tpu.wait_dma2 semaphore(%run_scoped3A : memref<!tpu.dma_semaphore, #tpu.memory_space<semaphore_mem>>) src(%dma_wait3A_56 : memref<256x2xi32, #tpu.memory_space<hbm>>) dst(%arg10 : memref<256x2xi32, #tpu.memory_space<vmem>>)
        tpu.yield
      }) : () -> ()
      %scan3A_13 = arith.constant 0 : i32
      %scan3A_14 = arith.constant 16 : i32
      %scan3A_15 = arith.addi %scan3A_13, %scan3A_14 : i32
      %scan3A_16 = arith.constant 1 : i32
      %scan3A_17 = scf.for %scan3A_51 = %scan3A_13 to %scan3A_15 step %scan3A_16 iter_args(%scan3A_52 = %scan3A_9) -> (vector<16xi32>)  : i32 {
        %mul3A_53 = arith.constant 16 : i32
        %mul3A_54 = arith.muli %scan3A_51, %mul3A_53 : i32
        %add3A_55 = vector.broadcast %mul3A_54 : i32 to vector<16xi32>
        %add3A_56 = arith.addi %add3A_55, %iota3A : vector<16xi32>
        %mul3A_57 = arith.constant 16 : i32
        %mul3A_58 = arith.muli %scan3A_51, %mul3A_57 : i32
        %add3A_59 = arith.constant 256 : i32
        %add3A_60 = arith.addi %add3A_59, %mul3A_58 : i32
        %gather3A = tpu.vector_load_idx %arg9[%add3A_56, %get3A_3] : memref<256x2xi32, #tpu.memory_space<vmem>>[vector<16xi32>, vector<16xi32>], vector<16xi32>,
        %swap3A = arith.index_cast %add3A_60 : i32 to index
        %swap3A_61 = tpu.vector_load %arg11[%swap3A] {strides = array<i32>} : memref<1024xi32, #tpu.memory_space<vmem>>, vector<16xi32>,
        tpu.vector_store %arg11[%swap3A], %gather3A {strides = array<i32>} : memref<1024xi32, #tpu.memory_space<vmem>>, vector<16xi32>,
        %gather3A_62 = tpu.vector_load_idx %arg10[%add3A_56, %get3A_3] : memref<256x2xi32, #tpu.memory_space<vmem>>[vector<16xi32>, vector<16xi32>], vector<16xi32>,
        %swap3A_63 = arith.index_cast %add3A_60 : i32 to index
        %swap3A_64 = tpu.vector_load %arg12[%swap3A_63] {strides = array<i32>} : memref<1024xi32, #tpu.memory_space<vmem>>, vector<16xi32>,
        tpu.vector_store %arg12[%swap3A_63], %gather3A_62 {strides = array<i32>} : memref<1024xi32, #tpu.memory_space<vmem>>, vector<16xi32>,
        %add3A_65 = arith.addi %scan3A_52, %gather3A_62 : vector<16xi32>
        scf.yield %add3A_65 : vector<16xi32>
      }
      %scan3A_18 = arith.constant 16 : i32
      %add3A_19 = arith.constant 512 : i32
      %add3A_20 = arith.addi %mul3A_2, %add3A_19 : i32
      "tpu.region"() ({
        %run_scoped3A = tpu.sem_alloc : memref<!tpu.dma_semaphore, #tpu.memory_space<semaphore_mem>>
        %dma_start3A = arith.constant 0 : i32
        %dma_start3A_51 = tpu.memref_slice %arg2[%add3A_20, %dma_start3A] : memref<16384x2xi32, #tpu.memory_space<hbm>> -> memref<256x2xi32, #tpu.memory_space<hbm>>
        %dma_start3A_52 = arith.constant 0 : i32
        %dma_start3A_53 = tpu.memref_slice %arg2[%add3A_20, %dma_start3A_52] : memref<16384x2xi32, #tpu.memory_space<hbm>> -> memref<256x2xi32, #tpu.memory_space<hbm>>
        tpu.enqueue_dma source(%dma_start3A_53 : memref<256x2xi32, #tpu.memory_space<hbm>>) target(%arg9 : memref<256x2xi32, #tpu.memory_space<vmem>>) target_semaphore(%run_scoped3A : memref<!tpu.dma_semaphore, #tpu.memory_space<semaphore_mem>>)
        %dma_wait3A = arith.constant 0 : i32
        %dma_wait3A_54 = tpu.memref_slice %arg2[%add3A_20, %dma_wait3A] : memref<16384x2xi32, #tpu.memory_space<hbm>> -> memref<256x2xi32, #tpu.memory_space<hbm>>
        %dma_wait3A_55 = arith.constant 0 : i32
        %dma_wait3A_56 = tpu.memref_slice %arg2[%add3A_20, %dma_wait3A_55] : memref<16384x2xi32, #tpu.memory_space<hbm>> -> memref<256x2xi32, #tpu.memory_space<hbm>>
        tpu.wait_dma2 semaphore(%run_scoped3A : memref<!tpu.dma_semaphore, #tpu.memory_space<semaphore_mem>>) src(%dma_wait3A_56 : memref<256x2xi32, #tpu.memory_space<hbm>>) dst(%arg9 : memref<256x2xi32, #tpu.memory_space<vmem>>)
        tpu.yield
      }) : () -> ()
      "tpu.region"() ({
        %run_scoped3A = tpu.sem_alloc : memref<!tpu.dma_semaphore, #tpu.memory_space<semaphore_mem>>
        %dma_start3A = arith.constant 0 : i32
        %dma_start3A_51 = tpu.memref_slice %arg3[%add3A_20, %dma_start3A] : memref<16384x2xi32, #tpu.memory_space<hbm>> -> memref<256x2xi32, #tpu.memory_space<hbm>>
        %dma_start3A_52 = arith.constant 0 : i32
        %dma_start3A_53 = tpu.memref_slice %arg3[%add3A_20, %dma_start3A_52] : memref<16384x2xi32, #tpu.memory_space<hbm>> -> memref<256x2xi32, #tpu.memory_space<hbm>>
        tpu.enqueue_dma source(%dma_start3A_53 : memref<256x2xi32, #tpu.memory_space<hbm>>) target(%arg10 : memref<256x2xi32, #tpu.memory_space<vmem>>) target_semaphore(%run_scoped3A : memref<!tpu.dma_semaphore, #tpu.memory_space<semaphore_mem>>)
        %dma_wait3A = arith.constant 0 : i32
        %dma_wait3A_54 = tpu.memref_slice %arg3[%add3A_20, %dma_wait3A] : memref<16384x2xi32, #tpu.memory_space<hbm>> -> memref<256x2xi32, #tpu.memory_space<hbm>>
        %dma_wait3A_55 = arith.constant 0 : i32
        %dma_wait3A_56 = tpu.memref_slice %arg3[%add3A_20, %dma_wait3A_55] : memref<16384x2xi32, #tpu.memory_space<hbm>> -> memref<256x2xi32, #tpu.memory_space<hbm>>
        tpu.wait_dma2 semaphore(%run_scoped3A : memref<!tpu.dma_semaphore, #tpu.memory_space<semaphore_mem>>) src(%dma_wait3A_56 : memref<256x2xi32, #tpu.memory_space<hbm>>) dst(%arg10 : memref<256x2xi32, #tpu.memory_space<vmem>>)
        tpu.yield
      }) : () -> ()
      %scan3A_21 = arith.constant 0 : i32
      %scan3A_22 = arith.constant 16 : i32
      %scan3A_23 = arith.addi %scan3A_21, %scan3A_22 : i32
      %scan3A_24 = arith.constant 1 : i32
      %scan3A_25 = scf.for %scan3A_51 = %scan3A_21 to %scan3A_23 step %scan3A_24 iter_args(%scan3A_52 = %scan3A_17) -> (vector<16xi32>)  : i32 {
        %mul3A_53 = arith.constant 16 : i32
        %mul3A_54 = arith.muli %scan3A_51, %mul3A_53 : i32
        %add3A_55 = vector.broadcast %mul3A_54 : i32 to vector<16xi32>
        %add3A_56 = arith.addi %add3A_55, %iota3A : vector<16xi32>
        %mul3A_57 = arith.constant 16 : i32
        %mul3A_58 = arith.muli %scan3A_51, %mul3A_57 : i32
        %add3A_59 = arith.constant 512 : i32
        %add3A_60 = arith.addi %add3A_59, %mul3A_58 : i32
        %gather3A = tpu.vector_load_idx %arg9[%add3A_56, %get3A_3] : memref<256x2xi32, #tpu.memory_space<vmem>>[vector<16xi32>, vector<16xi32>], vector<16xi32>,
        %swap3A = arith.index_cast %add3A_60 : i32 to index
        %swap3A_61 = tpu.vector_load %arg11[%swap3A] {strides = array<i32>} : memref<1024xi32, #tpu.memory_space<vmem>>, vector<16xi32>,
        tpu.vector_store %arg11[%swap3A], %gather3A {strides = array<i32>} : memref<1024xi32, #tpu.memory_space<vmem>>, vector<16xi32>,
        %gather3A_62 = tpu.vector_load_idx %arg10[%add3A_56, %get3A_3] : memref<256x2xi32, #tpu.memory_space<vmem>>[vector<16xi32>, vector<16xi32>], vector<16xi32>,
        %swap3A_63 = arith.index_cast %add3A_60 : i32 to index
        %swap3A_64 = tpu.vector_load %arg12[%swap3A_63] {strides = array<i32>} : memref<1024xi32, #tpu.memory_space<vmem>>, vector<16xi32>,
        tpu.vector_store %arg12[%swap3A_63], %gather3A_62 {strides = array<i32>} : memref<1024xi32, #tpu.memory_space<vmem>>, vector<16xi32>,
        %add3A_65 = arith.addi %scan3A_52, %gather3A_62 : vector<16xi32>
        scf.yield %add3A_65 : vector<16xi32>
      }
      %scan3A_26 = arith.constant 16 : i32
      %add3A_27 = arith.constant 768 : i32
      %add3A_28 = arith.addi %mul3A_2, %add3A_27 : i32
      "tpu.region"() ({
        %run_scoped3A = tpu.sem_alloc : memref<!tpu.dma_semaphore, #tpu.memory_space<semaphore_mem>>
        %dma_start3A = arith.constant 0 : i32
        %dma_start3A_51 = tpu.memref_slice %arg2[%add3A_28, %dma_start3A] : memref<16384x2xi32, #tpu.memory_space<hbm>> -> memref<256x2xi32, #tpu.memory_space<hbm>>
        %dma_start3A_52 = arith.constant 0 : i32
        %dma_start3A_53 = tpu.memref_slice %arg2[%add3A_28, %dma_start3A_52] : memref<16384x2xi32, #tpu.memory_space<hbm>> -> memref<256x2xi32, #tpu.memory_space<hbm>>
        tpu.enqueue_dma source(%dma_start3A_53 : memref<256x2xi32, #tpu.memory_space<hbm>>) target(%arg9 : memref<256x2xi32, #tpu.memory_space<vmem>>) target_semaphore(%run_scoped3A : memref<!tpu.dma_semaphore, #tpu.memory_space<semaphore_mem>>)
        %dma_wait3A = arith.constant 0 : i32
        %dma_wait3A_54 = tpu.memref_slice %arg2[%add3A_28, %dma_wait3A] : memref<16384x2xi32, #tpu.memory_space<hbm>> -> memref<256x2xi32, #tpu.memory_space<hbm>>
        %dma_wait3A_55 = arith.constant 0 : i32
        %dma_wait3A_56 = tpu.memref_slice %arg2[%add3A_28, %dma_wait3A_55] : memref<16384x2xi32, #tpu.memory_space<hbm>> -> memref<256x2xi32, #tpu.memory_space<hbm>>
        tpu.wait_dma2 semaphore(%run_scoped3A : memref<!tpu.dma_semaphore, #tpu.memory_space<semaphore_mem>>) src(%dma_wait3A_56 : memref<256x2xi32, #tpu.memory_space<hbm>>) dst(%arg9 : memref<256x2xi32, #tpu.memory_space<vmem>>)
        tpu.yield
      }) : () -> ()
      "tpu.region"() ({
        %run_scoped3A = tpu.sem_alloc : memref<!tpu.dma_semaphore, #tpu.memory_space<semaphore_mem>>
        %dma_start3A = arith.constant 0 : i32
        %dma_start3A_51 = tpu.memref_slice %arg3[%add3A_28, %dma_start3A] : memref<16384x2xi32, #tpu.memory_space<hbm>> -> memref<256x2xi32, #tpu.memory_space<hbm>>
        %dma_start3A_52 = arith.constant 0 : i32
        %dma_start3A_53 = tpu.memref_slice %arg3[%add3A_28, %dma_start3A_52] : memref<16384x2xi32, #tpu.memory_space<hbm>> -> memref<256x2xi32, #tpu.memory_space<hbm>>
        tpu.enqueue_dma source(%dma_start3A_53 : memref<256x2xi32, #tpu.memory_space<hbm>>) target(%arg10 : memref<256x2xi32, #tpu.memory_space<vmem>>) target_semaphore(%run_scoped3A : memref<!tpu.dma_semaphore, #tpu.memory_space<semaphore_mem>>)
        %dma_wait3A = arith.constant 0 : i32
        %dma_wait3A_54 = tpu.memref_slice %arg3[%add3A_28, %dma_wait3A] : memref<16384x2xi32, #tpu.memory_space<hbm>> -> memref<256x2xi32, #tpu.memory_space<hbm>>
        %dma_wait3A_55 = arith.constant 0 : i32
        %dma_wait3A_56 = tpu.memref_slice %arg3[%add3A_28, %dma_wait3A_55] : memref<16384x2xi32, #tpu.memory_space<hbm>> -> memref<256x2xi32, #tpu.memory_space<hbm>>
        tpu.wait_dma2 semaphore(%run_scoped3A : memref<!tpu.dma_semaphore, #tpu.memory_space<semaphore_mem>>) src(%dma_wait3A_56 : memref<256x2xi32, #tpu.memory_space<hbm>>) dst(%arg10 : memref<256x2xi32, #tpu.memory_space<vmem>>)
        tpu.yield
      }) : () -> ()
      %scan3A_29 = arith.constant 0 : i32
      %scan3A_30 = arith.constant 16 : i32
      %scan3A_31 = arith.addi %scan3A_29, %scan3A_30 : i32
      %scan3A_32 = arith.constant 1 : i32
      %scan3A_33 = scf.for %scan3A_51 = %scan3A_29 to %scan3A_31 step %scan3A_32 iter_args(%scan3A_52 = %scan3A_25) -> (vector<16xi32>)  : i32 {
        %mul3A_53 = arith.constant 16 : i32
        %mul3A_54 = arith.muli %scan3A_51, %mul3A_53 : i32
        %add3A_55 = vector.broadcast %mul3A_54 : i32 to vector<16xi32>
        %add3A_56 = arith.addi %add3A_55, %iota3A : vector<16xi32>
        %mul3A_57 = arith.constant 16 : i32
        %mul3A_58 = arith.muli %scan3A_51, %mul3A_57 : i32
        %add3A_59 = arith.constant 768 : i32
        %add3A_60 = arith.addi %add3A_59, %mul3A_58 : i32
        %gather3A = tpu.vector_load_idx %arg9[%add3A_56, %get3A_3] : memref<256x2xi32, #tpu.memory_space<vmem>>[vector<16xi32>, vector<16xi32>], vector<16xi32>,
        %swap3A = arith.index_cast %add3A_60 : i32 to index
        %swap3A_61 = tpu.vector_load %arg11[%swap3A] {strides = array<i32>} : memref<1024xi32, #tpu.memory_space<vmem>>, vector<16xi32>,
        tpu.vector_store %arg11[%swap3A], %gather3A {strides = array<i32>} : memref<1024xi32, #tpu.memory_space<vmem>>, vector<16xi32>,
        %gather3A_62 = tpu.vector_load_idx %arg10[%add3A_56, %get3A_3] : memref<256x2xi32, #tpu.memory_space<vmem>>[vector<16xi32>, vector<16xi32>], vector<16xi32>,
        %swap3A_63 = arith.index_cast %add3A_60 : i32 to index
        %swap3A_64 = tpu.vector_load %arg12[%swap3A_63] {strides = array<i32>} : memref<1024xi32, #tpu.memory_space<vmem>>, vector<16xi32>,
        tpu.vector_store %arg12[%swap3A_63], %gather3A_62 {strides = array<i32>} : memref<1024xi32, #tpu.memory_space<vmem>>, vector<16xi32>,
        %add3A_65 = arith.addi %scan3A_52, %gather3A_62 : vector<16xi32>
        scf.yield %add3A_65 : vector<16xi32>
      }
      %scan3A_34 = arith.constant 16 : i32
      "tpu.region"() ({
        %run_scoped3A = tpu.sem_alloc : memref<!tpu.dma_semaphore, #tpu.memory_space<semaphore_mem>>
        %dma_start3A = tpu.memref_slice %arg5[%mul3A_2] : memref<16384xi32, #tpu.memory_space<hbm>> -> memref<1024xi32, #tpu.memory_space<hbm>>
        %dma_start3A_51 = tpu.memref_slice %arg5[%mul3A_2] : memref<16384xi32, #tpu.memory_space<hbm>> -> memref<1024xi32, #tpu.memory_space<hbm>>
        tpu.enqueue_dma source(%arg11 : memref<1024xi32, #tpu.memory_space<vmem>>) target(%dma_start3A_51 : memref<1024xi32, #tpu.memory_space<hbm>>) target_semaphore(%run_scoped3A : memref<!tpu.dma_semaphore, #tpu.memory_space<semaphore_mem>>)
        %dma_wait3A = tpu.memref_slice %arg5[%mul3A_2] : memref<16384xi32, #tpu.memory_space<hbm>> -> memref<1024xi32, #tpu.memory_space<hbm>>
        %dma_wait3A_52 = tpu.memref_slice %arg5[%mul3A_2] : memref<16384xi32, #tpu.memory_space<hbm>> -> memref<1024xi32, #tpu.memory_space<hbm>>
        tpu.wait_dma2 semaphore(%run_scoped3A : memref<!tpu.dma_semaphore, #tpu.memory_space<semaphore_mem>>) src(%arg11 : memref<1024xi32, #tpu.memory_space<vmem>>) dst(%dma_wait3A_52 : memref<1024xi32, #tpu.memory_space<hbm>>)
        tpu.yield
      }) : () -> ()
      "tpu.region"() ({
        %run_scoped3A = tpu.sem_alloc : memref<!tpu.dma_semaphore, #tpu.memory_space<semaphore_mem>>
        %dma_start3A = tpu.memref_slice %arg6[%mul3A_2] : memref<16384xi32, #tpu.memory_space<hbm>> -> memref<1024xi32, #tpu.memory_space<hbm>>
        %dma_start3A_51 = tpu.memref_slice %arg6[%mul3A_2] : memref<16384xi32, #tpu.memory_space<hbm>> -> memref<1024xi32, #tpu.memory_space<hbm>>
        tpu.enqueue_dma source(%arg12 : memref<1024xi32, #tpu.memory_space<vmem>>) target(%dma_start3A_51 : memref<1024xi32, #tpu.memory_space<hbm>>) target_semaphore(%run_scoped3A : memref<!tpu.dma_semaphore, #tpu.memory_space<semaphore_mem>>)
        %dma_wait3A = tpu.memref_slice %arg6[%mul3A_2] : memref<16384xi32, #tpu.memory_space<hbm>> -> memref<1024xi32, #tpu.memory_space<hbm>>
        %dma_wait3A_52 = tpu.memref_slice %arg6[%mul3A_2] : memref<16384xi32, #tpu.memory_space<hbm>> -> memref<1024xi32, #tpu.memory_space<hbm>>
        tpu.wait_dma2 semaphore(%run_scoped3A : memref<!tpu.dma_semaphore, #tpu.memory_space<semaphore_mem>>) src(%arg12 : memref<1024xi32, #tpu.memory_space<vmem>>) dst(%dma_wait3A_52 : memref<1024xi32, #tpu.memory_space<hbm>>)
        tpu.yield
      }) : () -> ()
      %reduce_sum3A = arith.constant true
      %reduce_sum3A_35 = vector.broadcast %reduce_sum3A : i1 to vector<16xi1>
      %reduce_sum3A_36 = tpu.scan <sum>, %scan3A_33 masked %reduce_sum3A_35 : vector<16xi32>, vector<16xi1> -> vector<16xi32>
      %reduce_sum3A_37 = vector.extract %reduce_sum3A_36[15] : i32 from vector<16xi32>
      %eq3A_38 = arith.constant 0 : i32
      %eq3A_39 = arith.cmpi eq, %arg1, %eq3A_38 : i32
      %convert_element_type3A_40 = arith.extui %eq3A_39 : i1 to i32
      %cond3A_41 = arith.constant 0 : i32
      %cond3A_42 = arith.cmpi ne, %convert_element_type3A_40, %cond3A_41 : i32
      scf.if %cond3A_42 {
        %swap3A = arith.constant 0 : i32
        %swap3A_51 = arith.constant 0 : i32
        %swap3A_52 = arith.index_cast %swap3A_51 : i32 to index
        %swap3A_53 = memref.load %arg16[%swap3A_52] : memref<1xi32, #tpu.memory_space<smem>>
        memref.store %swap3A, %arg16[%swap3A_52] : memref<1xi32, #tpu.memory_space<smem>>
      } else {
      }
      %barrier3A = arith.constant 0 : index
      tpu.barrier barrier_id(%barrier3A)
      %sc_fetch_and_add3A = arith.constant 0 : i32
      %sc_fetch_and_add3A_43 = arith.constant 0 : i32
      %sc_fetch_and_add3A_44 = tpu.fetch_and_add_sync %arg16[%sc_fetch_and_add3A], %reduce_sum3A_37, %sc_fetch_and_add3A_43 : memref<1xi32, #tpu.memory_space<smem>>, i32 -> i32
      %barrier3A_45 = arith.constant 0 : index
      tpu.barrier barrier_id(%barrier3A_45)
      %eq3A_46 = arith.constant 0 : i32
      %eq3A_47 = arith.cmpi eq, %arg1, %eq3A_46 : i32
      %convert_element_type3A_48 = arith.extui %eq3A_47 : i1 to i32
      %cond3A_49 = arith.constant 0 : i32
      %cond3A_50 = arith.cmpi ne, %convert_element_type3A_48, %cond3A_49 : i32
      scf.if %cond3A_50 {
        %get3A_51 = arith.constant 0 : i32
        %get3A_52 = arith.index_cast %get3A_51 : i32 to index
        %get3A_53 = memref.load %arg16[%get3A_52] : memref<1xi32, #tpu.memory_space<smem>>
        %convert_element_type3A_54 = arith.sitofp %get3A_53 : i32 to f32
        %broadcast_in_dim3A_55 = vector.broadcast %convert_element_type3A_54 : f32 to vector<16xf32>
        %swap3A = arith.constant 0 : index
        %swap3A_56 = tpu.vector_load %arg14[%swap3A] {strides = array<i32>} : memref<16xf32, #tpu.memory_space<vmem>>, vector<16xf32>,
        tpu.vector_store %arg14[%swap3A], %broadcast_in_dim3A_55 {strides = array<i32>} : memref<16xf32, #tpu.memory_space<vmem>>, vector<16xf32>,
        %gt3A = arith.constant 0.000000e+00 : f32
        %gt3A_57 = arith.cmpf ogt, %convert_element_type3A_54, %gt3A : f32
        %convert_element_type3A_58 = arith.extui %gt3A_57 : i1 to i32
        %broadcast_in_dim3A_59 = vector.broadcast %convert_element_type3A_58 : i32 to vector<16xi32>
        %swap3A_60 = arith.constant 0 : index
        %swap3A_61 = tpu.vector_load %arg15[%swap3A_60] {strides = array<i32>} : memref<16xi32, #tpu.memory_space<vmem>>, vector<16xi32>,
        tpu.vector_store %arg15[%swap3A_60], %broadcast_in_dim3A_59 {strides = array<i32>} : memref<16xi32, #tpu.memory_space<vmem>>, vector<16xi32>,
        "tpu.region"() ({
          %run_scoped3A = tpu.sem_alloc : memref<!tpu.dma_semaphore, #tpu.memory_space<semaphore_mem>>
          tpu.enqueue_dma source(%arg14 : memref<16xf32, #tpu.memory_space<vmem>>) target(%arg7 : memref<16xf32, #tpu.memory_space<hbm>>) target_semaphore(%run_scoped3A : memref<!tpu.dma_semaphore, #tpu.memory_space<semaphore_mem>>)
          tpu.wait_dma2 semaphore(%run_scoped3A : memref<!tpu.dma_semaphore, #tpu.memory_space<semaphore_mem>>) src(%arg14 : memref<16xf32, #tpu.memory_space<vmem>>) dst(%arg7 : memref<16xf32, #tpu.memory_space<hbm>>)
          tpu.yield
        }) : () -> ()
        "tpu.region"() ({
          %run_scoped3A = tpu.sem_alloc : memref<!tpu.dma_semaphore, #tpu.memory_space<semaphore_mem>>
          tpu.enqueue_dma source(%arg15 : memref<16xi32, #tpu.memory_space<vmem>>) target(%arg8 : memref<16xi32, #tpu.memory_space<hbm>>) target_semaphore(%run_scoped3A : memref<!tpu.dma_semaphore, #tpu.memory_space<semaphore_mem>>)
          tpu.wait_dma2 semaphore(%run_scoped3A : memref<!tpu.dma_semaphore, #tpu.memory_space<semaphore_mem>>) src(%arg15 : memref<16xi32, #tpu.memory_space<vmem>>) dst(%arg8 : memref<16xi32, #tpu.memory_space<hbm>>)
          tpu.yield
        }) : () -> ()
      } else {
      }
    } else {
    }
    return
  }
}

</mosaic_0001>

<sc_bundles>
// kernel: cign_masking_sc.3.cloned.1.call-start
scs
__scs_entry_jumppad:
0x0: {  	(pc) =	sbr.rel $0x88, $3  }
0x1: {  	(tag) =	ssettag $0x0;
	lr =	simm.s32 $0x1  }
0x2: {  	[smem:$0x3F9E] =	sst lr;
	_ =	strace $0xD0000000  }
0x3: {  	_ = 	snop  }
0x4: {  	_ = 	snop  }
0x5: {  	_ = 	snop  }
0x6: {  	_ = 	snop  }
0x7: {  	_ = 	snop  }
__scs_overlays_trampoline_lowered:
0x8: {  	[smem:$0x3FAD] =	sst s0  }
0x9: {  	[smem:$0x3FAE] =	sst s1  }
0xa: {  	[smem:$0x3FAF] =	sst s2  }
0xb: {  	[smem:$0x3FB0] =	sst s3  }
0xc: {  	[smem:$0x3FB1] =	sst s4  }
0xd: {  	[smem:$0x3FB2] =	sst s5  }
0xe: {  	[smem:$0x3FB3] =	sst s6  }
0xf: {  	[smem:$0x3FB4] =	sst s7  }
0x10: {  	[smem:$0x3FB5] =	sst s8  }
0x11: {  	[smem:$0x3FB6] =	sst s9;
	s0 =	simm.s32 @!p0 $0x0  }
0x12: {  	s1 =	sld [smem:$0x3F9C];
	s0 =	simm.s32 @p0 $0x1  }
0x13: {  	[smem:$0x3FB7] =	sst s0;
	s0 =	simm.s32 @!p1 $0x0  }
0x14: {  	s2 =	sld [smem:$0x3F9B];
	s0 =	simm.s32 @p1 $0x1  }
0x15: {  	[smem:$0x3FB8] =	sst s0;
	s0 =	simm.s32 @!p2 $0x0  }
0x16: {  	s3 =	sld [smem:$0x3FDB];
	s0 =	simm.s32 @p2 $0x1  }
0x17: {  	s4 =	simm.s32 $0x1BF5;
	[smem:$0x3FBA] =	sst s0  }
0x18: {  	s0 =	sld [smem:$0x3F9D];
	_ =	swait.ge [sflag:s4], $0x0  }
0x19: {  	s7 =	sld [smem:$0x3F9E]  }
0x1a: {  	s8 =	sadd.s32 $0xFFFFE003, lr  }
0x1b: {  	s9 =	sadd.s32 $0xFFFFFEF7, lr;
	s5 =	simm.s32 $0xFFFFFFFF;
	p2 =	slt.u32 s8, $0xFFFFF086  }
0x1c: {  	p1 =	slt.u32 s9, $0xF7A;
	s5 =	simm.s32 @!p2 $0x0  }
0x1d: {  	s5 =	simm.s32 @p1 $0x1;
	p0 =	seq.s32 s7, s2  }
0x1e: {  	s7 =	smul.u32 @!p0 $0xF7A, s2;
	p2 =	seq.s32 @!p0 s5, $0x0  }
0x1f: {  	s9 =	smul.u32 $0xF7A, s1;
	s8 =	simm.s32 @!p0 $0x1BF5;
	p2 =	por !p2, p0  }
0x20: {  	[sflag:s8] =	ssyncset.s32 @!p0 $0xFFFFF086;
	s6 =	sadd.s32 @!p0 s3, s7;
	s7 =	simm.s32 @!p0 $0x108  }
0x21: {  	s3 =	sadd.s32 s3, s9;
	s6 =	sadd.s32 @!p0 $0x88, s6;
	s7 =	simm.s32 @p2 $0x1082  }
0x22: {  	[simem:s7], [sflag:s8] =	dma.local @!p0 [hbm:s6], $0xF7A  }
0x23: {  	s9 =	sor.u32 $0xD0000000, s2;
	s6 =	simm.s32 $0x108;
	_ =	swait.ge @!p0 [sflag:s8], $0x0  }
0x24: {  	s3 =	sadd.s32 $0x88, s3;
	s6 =	simm.s32 @!p1 $0x1082;
	[sflag:s4] =	ssyncset.s32 $0xFFFFF086  }
0x25: {  	[simem:s6], [sflag:s4] =	dma.local [hbm:s3], $0xF7A  }
0x26: {  	[smem:$0x3F9E] =	sst s1;
	(tag) =	ssettag s2;
	_ =	strace s9  }
0x27: {  	s1 =	sld [smem:$0x3FAE]  }
0x28: {  	s2 =	sld [smem:$0x3FAF]  }
0x29: {  	s4 =	sld [smem:$0x3FB1]  }
0x2a: {  	p0 =	seq.s32 s5, $0x0;
	s5 =	sld [smem:$0x3FB2]  }
0x2b: {  	s6 =	sld [smem:$0x3FB3]  }
0x2c: {  	s7 =	sld [smem:$0x3FB4]  }
0x2d: {  	s3 =	simm.s32 $0x108;
	s8 =	sld [smem:$0x3FB5]  }
0x2e: {  	s3 =	simm.s32 @!p0 $0x1082;
	s9 =	sld [smem:$0x3FB6]  }
0x2f: {  	lr =	sadd.s32 s0, s3;
	s0 =	sld [smem:$0x3FAD]  }
0x30: {  	s3 =	sld [smem:$0x3FB0]  }
0x31: {  	[smem:$0x3FB9] =	sst s10  }
0x32: {  	s10 =	sld [smem:$0x3FB7];
	_ =	sdelay $0x3  }
0x33: {  	p0 =	seq.s32 s10, $0x1;
	s10 =	sld [smem:$0x3FB9];
	_ =	sdelay $0x3  }
0x34: {  	[smem:$0x3FB9] =	sst s10  }
0x35: {  	s10 =	sld [smem:$0x3FB8];
	_ =	sdelay $0x3  }
0x36: {  	p1 =	seq.s32 s10, $0x1;
	s10 =	sld [smem:$0x3FB9];
	_ =	sdelay $0x3  }
0x37: {  	[smem:$0x3FB9] =	sst s10  }
0x38: {  	s10 =	sld [smem:$0x3FBA]  }
0x39: {  	_ = 	snop;
	(pc) =	sbr.ind lr, $3  }
0x3a: {  	_ = 	snop  }
0x3b: {  	_ = 	snop  }
0x3c: {  	p2 =	seq.s32 s10, $0x1;
	s10 =	sld [smem:$0x3FB9]  }
0x3d: {  	_ =	shalt  }
0x3e: {  	_ =	shalt  }
0x3f: {  	_ =	shalt  }
0x40: {  	_ =	shalt  }
0x41: {  	_ =	shalt  }
0x42: {  	_ =	shalt  }
0x43: {  	_ =	shalt  }
0x44: {  	_ =	shalt  }
0x45: {  	_ =	shalt  }
0x46: {  	_ =	shalt  }
0x47: {  	_ =	shalt  }
0x48: {  	_ =	shalt  }
0x49: {  	_ =	shalt  }
0x4a: {  	_ =	shalt  }
0x4b: {  	_ =	shalt  }
0x4c: {  	_ =	shalt  }
0x4d: {  	_ =	shalt  }
0x4e: {  	_ =	shalt  }
0x4f: {  	_ =	shalt  }
0x50: {  	_ =	shalt  }
0x51: {  	_ =	shalt  }
0x52: {  	_ =	shalt  }
0x53: {  	_ =	shalt  }
0x54: {  	_ =	shalt  }
0x55: {  	_ =	shalt  }
0x56: {  	_ =	shalt  }
0x57: {  	_ =	shalt  }
0x58: {  	_ =	shalt  }
0x59: {  	_ =	shalt  }
0x5a: {  	_ =	shalt  }
0x5b: {  	_ =	shalt  }
0x5c: {  	_ =	shalt  }
0x5d: {  	_ =	shalt  }
0x5e: {  	_ =	shalt  }
0x5f: {  	_ =	shalt  }
0x60: {  	_ =	shalt  }
0x61: {  	_ =	shalt  }
0x62: {  	_ =	shalt  }
0x63: {  	_ =	shalt  }
0x64: {  	_ =	shalt  }
0x65: {  	_ =	shalt  }
0x66: {  	_ =	shalt  }
0x67: {  	_ =	shalt  }
0x68: {  	_ =	shalt  }
0x69: {  	_ =	shalt  }
0x6a: {  	_ =	shalt  }
0x6b: {  	_ =	shalt  }
0x6c: {  	_ =	shalt  }
0x6d: {  	_ =	shalt  }
0x6e: {  	_ =	shalt  }
0x6f: {  	_ =	shalt  }
0x70: {  	_ =	shalt  }
0x71: {  	_ =	shalt  }
0x72: {  	_ =	shalt  }
0x73: {  	_ =	shalt  }
0x74: {  	_ =	shalt  }
0x75: {  	_ =	shalt  }
0x76: {  	_ =	shalt  }
0x77: {  	_ =	shalt  }
0x78: {  	_ =	shalt  }
0x79: {  	_ =	shalt  }
0x7a: {  	_ =	shalt  }
0x7b: {  	_ =	shalt  }
0x7c: {  	_ =	shalt  }
0x7d: {  	_ =	shalt  }
0x7e: {  	_ =	shalt  }
0x7f: {  	_ =	shalt  }
0x80: {  	_ =	shalt  }
0x81: {  	_ =	shalt  }
0x82: {  	_ =	shalt  }
0x83: {  	_ =	shalt  }
0x84: {  	_ =	shalt  }
0x85: {  	_ =	shalt  }
0x86: {  	_ =	shalt  }
0x87: {  	_ =	shalt  }
.Lfunc_end0:
.L_simem_size_0:
called_computation_lowered:
.L_overlay_start_0:
0x88: {  	s2 =	sld [smem:$0x3FD9]  }
0x89: {  	s3 =	sld [smem:$0x3FFE];
	_ =	sdelay $0x1  }
0x8a: {  	s1 =	srdreg.scid  }
0x8b: {  	s0 =	sand.u32 $0x1, s1  }
0x8c: {  	s14 =	sshll.u32 s0, $0xA;
	s2 =	sadd.s32 s3, s2  }
0x8d: {  	s2 =	sadd.s32 s2, s14  }
0x8e: {  	[smem:$0x3FC5] =	sst s2  }
0x8f: {  	_ = 	snop  }
0x90: {  	s2 =	sld [smem:$0x3FD0];
	_ =	sdelay $0x2  }
0x91: {  	s4 =	simm.s32 $0xA;
	s5 =	simm.s32 $0x10;
	s15 =	sld [smem:$0x3FC7]  }
0x92: {  	[smem:s5], [sflag:s4] =	dma.local [hbm:s2], $0x1  }
0x93: {  	_ =	swait.eq [sflag:s4], $0x1  }
0x94: {  	s16 =	sld [smem:$0x10]  }
0x95: {  	s17 =	sld [smem:$0x11];
	[sflag:s4] =	ssyncset.done $0x0  }
0x96: {  	s6 =	sld [smem:$0x12];
	[sflag:s4] =	ssyncadd.s32 $0xFFFFFFFF  }
0x97: {  	s18 =	sld [smem:$0x13];
	(tm) =	ssettm $0x1  }
0x98: {  	s7 =	sld [smem:$0x3FFB];
	_ =	sdelay $0x3  }
0x99: {  	_ =	strace s7  }
0x9a: {  	s7 =	sld [smem:$0x3FFC];
	_ =	sdelay $0x3  }
0x9b: {  	_ =	strace s7  }
0x9c: {  	s7 =	sld [smem:$0x3FFD];
	_ =	sdelay $0x3  }
0x9d: {  	_ =	strace s7  }
0x9e: {  	_ =	strace $0x8FFFFFFF  }
0x9f: {  	s19 =	sld [smem:$0x3FDB];
	_ =	sdelay $0x1  }
0xa0: {  	s8 =	simm.s32 $_scs_section_size  }
0xa1: {  	s9 =	simm.s32 $_size__tile_overlayer_lowered;
	s10 =	simm.s32 $_tile_overlayer_lowered  }
0xa2: {  	s22 =	simm.s32 $0x1BFF;
	s21 =	sshll.u32 s10, $0x1;
	s7 =	sadd.s32 s8, s19  }
0xa3: {  	s11 =	simm.s32 $0x0;
	s20 =	sshll.u32 s9, $0x1;
	s9 =	sadd.s32 s21, s7  }
0xa4: {  	[timem:s11], [sflag:s22] =	dma.local [hbm:s9], s20  }
0xa5: {  	_ =	swait.ge [sflag:s22], s20  }
0xa6: {  	s8 =	ssub.s32 $0x0, s20;
	[sflag:s22] =	ssyncset.done $0x0  }
0xa7: {  	[sflag:s22] =	ssyncadd.s32 s8;
	_ =	sdelay $0x1  }
0xa8: {  	s23 =	simm.s32 $0x1B8B  }
0xa9: {  	_ =	swait.ge [sflag:s23], $0x1  }
0xaa: {  	[sflag:s23] =	ssyncset.done $0x0  }
0xab: {  	s25 =	simm.s32 $0x1B8E;
	s24 =	sld [smem:$0x3FFE];
	[sflag:s23] =	ssyncadd.s32 $0xFFFFFFFF  }
0xac: {  	s26 =	simm.s32 $execute0_lowered;
	[smem:$0x3FD2] =	sst s25  }
0xad: {  	s9 =	sshll.u32 s26, $0x1;
	_ =	strace $0x80000046;
	[dreg:$0x1] =	wrdreg $0xFFFFFFFF  }
0xae: {  	s28 =	simm.s32 $_size_execute0_lowered;
	s7 =	sadd.s32 s7, s9;
	[dreg:$0x0] =	wrdreg $0x0  }
0xaf: {  	s9 =	sshll.u32 s28, $0x1;
	[dreg:$0x2] =	wrdreg s7  }
0xb0: {  	[dreg:$0x3] =	wrdreg s9  }
0xb1: {  	[dreg:$0x4] =	wrdreg $0xC0  }
0xb2: {  	_ =	task [dreg:s11], $0x5FFFF  }
0xb3: {  	[dreg:$0x1] =	wrdreg $0xFFFFFFFF  }
0xb4: {  	[dreg:$0x0] =	wrdreg $0x60  }
0xb5: {  	[dreg:$0x2] =	wrdreg s24  }
0xb6: {  	[dreg:$0x3] =	wrdreg s15  }
0xb7: {  	[dreg:$0x4] =	wrdreg s16  }
0xb8: {  	[dreg:$0x5] =	wrdreg s17  }
0xb9: {  	[dreg:$0x6] =	wrdreg s6  }
0xba: {  	[dreg:$0x7] =	wrdreg s18  }
0xbb: {  	[dreg:$0x8] =	wrdreg $0x9  }
0xbc: {  	_ =	task.clear_ibuf [dreg:s11], $0x9FFFF;
	_ =	strace $0x90000046  }
0xbd: {  	s29 =	simm.s32 $0x9;
	_ =	strace $0x80000048  }
0xbe: {  	_ =	swait.ge [sflag:s29], $0x1  }
0xbf: {  	[sflag:s29] =	ssyncadd.s32 $0xFFFFFFFF  }
0xc0: {  	_ =	strace $0x90000048  }
0xc1: {  	_ =	sfence  }
0xc2: {  	s30 =	sld [smem:$0x0];
	_ =	sdelay $0x2  }
0xc3: {  	s31 =	sshll.u32 s1, $0xD;
	s1 =	sshrl.u32 s1, $0x2  }
0xc4: {  	s3 =	sand.u32 $0x4000, s31;
	s1 =	sadd.s32 s1, s30  }
0xc5: {  	s0 =	sor.u32 s3, s0;
	s1 =	sshll.u32 s1, $0x11  }
0xc6: {  	s0 =	sor.u32 s1, s0  }
0xc7: {  	s0 =	sadd.s32 $0x8F2B, s0  }
0xc8: {  	[sflag:s0] =	ssyncadd.remote.s32 $0x1  }
0xc9: {  	_ =	sfence.sel $0xFFFF  }
0xca: {  	[dreg:$0x0] =	wrdreg $0xFFFFFFFF;
	(pc) =	sbr.abs _section_cstart, $3  }
0xcb: {  	[dreg:$0x1] =	wrdreg $0xFFFFFFFF  }
0xcc: {  	_ =	task.clear_ibuf [dreg:s11], $0x2FFFF;
	_ =	strace $0x9FFFFFFF  }
0xcd: {  	(tm) =	ssettm $0x7FFFFFFF  }
tec
execute0_lowered:
.L_overlay_start_1:
0x0: {  	(tag) =	ssettag $0x1  }
0x1: {  	s5 =	rddreg [dreg:$0x0];
	s2 =	srdreg.scid  }
0x2: {  	s6 =	rddreg [dreg:$0x1];
	s2 =	sand.u32 $0x1, s2  }
0x3: {  	s4 =	rddreg [dreg:$0x2];
	p0 =	seq.s32 s2, $0x1  }
.Ltmp0:
0x4: {  	s13 =	rddreg [dreg:$0x3];
	(pc) =	sbr.rel @p0 .LBB2_10-.Ltmp0, $4  }
0x5: {  	s3 =	rddreg [dreg:$0x4]  }
0x6: {  	s1 =	rddreg [dreg:$0x5];
	s10 =	simm.s32 $0x0  }
0x7: {  	[smem:$0x7FF] =	sst s10  }
0x8: {  	s0 =	rddreg [dreg:$0x6];
	_ =	strace $0x80000047;
	s2 =	stileid.u32  }
0x9: {  	s7 =	simm.s32 $0x10800;
	s23 =	simm.s32 $0x2  }
0xa: {  	[tilespmem:s7], [sflag:$0x2] =	stream.linear.gather [hbm4b:s6+s10], $0x80, $0x38;
	[tilespmem:$0x10980] =	vst v63  }
0xb: {  	_ =	swait.ge [sflag:s23], $0x80  }
0xc: {  	[sflag:s23] =	ssyncset.done $0x0  }
0xd: {  	[sflag:s23] =	ssyncadd.s32 $0xFFFFFF80  }
0xe: {  	s24 =	sadd.s32 $0x800, s5;
	s8 =	sshll.u32 s2, $0xE;
	v0 =	vld [tilespmem:$0x10800]  }
0xf: {  	v1 =	vlaneseq.u32;
	s9 =	sadd.s32 s24, s8  }
0x10: {  	v2 =	vmov s10;
	v1 =	vmul.u32 $0x80, v1;
	[tilespmem:s10], [sflag:$0x2] =	stream.linear.gather [hbm4b:s9+s10], $0x8000, $0x38;
	[tilespmem:$0x10980] =	vst v63  }
0x11: {  	v2 =	vshll.u32 v2, $0x7;
	_ =	swait.ge [sflag:s23], $0x8000  }
0x12: {  	s25 =	sadd.s32 $0x40800, s5;
	v2 =	vor.u32 v1, v2;
	[sflag:s23] =	ssyncset.done $0x0  }
0x13: {  	s11 =	simm.s32 $0x8000;
	s26 =	sadd.s32 s25, s8;
	[sflag:s23] =	ssyncadd.s32 $0xFFFF8000;
	v2 =	vadd.s32 v0, v2  }
0x14: {  	[tilespmem:s11], [sflag:$0x2] =	stream.linear.gather [hbm4b:s26+s10], $0x8000, $0x38;
	[tilespmem:$0x10980] =	vst v63  }
0x15: {  	_ =	swait.ge [sflag:s23], $0x8000  }
0x16: {  	[sflag:s23] =	ssyncset.done $0x0  }
0x17: {  	[sflag:s23] =	ssyncadd.s32 $0xFFFF8000  }
0x18: {  	v3 =	vld.idx.msk [tilespmem:v2+s10+$0x0], $0xffff;
	_ =	sdelay $0x2  }
0x19: {  	s28 =	simm.s32 $0x10  }
0x1a: {  	s29 =	simm.s32 $0x10000;
	v4 =	vmov s28  }
0x1b: {  	[tilespmem:s29+$0x0] =	vst v3;
	v3 =	vshll.u32 v4, $0x7  }
0x1c: {  	v2 =	vld.idx.msk [tilespmem:v2+s11+$0x0], $0xffff;
	v3 =	vor.u32 v1, v3  }
0x1d: {  	v3 =	vadd.s32 v0, v3;
	_ =	sdelay $0x2  }
0x1e: {  	s15 =	simm.s32 $0x10400  }
0x1f: {  	[tilespmem:s15+$0x0] =	vst v2  }
0x20: {  	v5 =	vld.idx.msk [tilespmem:v3+s10+$0x0], $0xffff  }
0x21: {  	s17 =	sshll.u32 s2, $0x7;
	s18 =	simm.s32 $0x20;
	s30 =	sor.u32 $0x1000, s8  }
0x22: {  	s16 =	sor.u32 $0x2000, s8;
	s31 =	sor.u32 $0x3000, s8;
	s5 =	sadd.s32 s4, s17  }
0x23: {  	s4 =	sadd.s32 s13, s17;
	s13 =	simm.s32 $0x30;
	s14 =	sadd.s32 s24, s30  }
0x24: {  	s8 =	sadd.s32 s25, s16;
	s9 =	sadd.s32 s24, s16;
	s16 =	simm.s32 $0x10010;
	v4 =	vimm.s32 $0x0  }
0x25: {  	s12 =	sadd.s32 s25, s30;
	s7 =	sadd.s32 s24, s31;
	s6 =	sadd.s32 s25, s31;
	v2 =	vadd.s32 v4, v2;
	v4 =	vmov s18;
	[tilespmem:s16+$0x0] =	vst v5  }
.LBB2_2:
0x26: {  	p0 =	sne.s32 s13, $0xF0;
	v4 =	vshll.u32 v4, $0x7;
	v5 =	vld.idx.msk [tilespmem:v3+s11+$0x0], $0xffff  }
0x27: {  	v3 =	vor.u32 v1, v4  }
0x28: {  	v3 =	vadd.s32 v0, v3;
	_ =	sdelay $0x2  }
0x29: {  	s15 =	sadd.s32 $0x10, s15  }
0x2a: {  	v2 =	vadd.s32 v2, v5;
	[tilespmem:s15+$0x0] =	vst v5  }
0x2b: {  	v5 =	vld.idx.msk [tilespmem:v3+s10+$0x0], $0xffff;
	_ =	sdelay $0x1  }
.Ltmp1:
0x2c: {  	(pc) =	sbr.rel @p0 .LBB2_2-.Ltmp1, $3  }
0x2d: {  	_ =	sdelay $0x1  }
0x2e: {  	s16 =	sadd.s32 $0x10, s16  }
0x2f: {  	v4 =	vmov s13;
	s13 =	sadd.s32 $0x10, s13;
	[tilespmem:s16+$0x0] =	vst v5  }
0x30: {  	_ =	sdelay $0x2  }
0x31: {  	v4 =	vshll.u32 v4, $0x7  }
0x32: {  	v5 =	vld.idx.msk [tilespmem:v3+s11+$0x0], $0xffff;
	v1 =	vor.u32 v1, v4  }
0x33: {  	v1 =	vadd.s32 v0, v1;
	_ =	sdelay $0x2  }
0x34: {  	s13 =	sadd.s32 $0x10, s15  }
0x35: {  	[tilespmem:s13+$0x0] =	vst v5  }
0x36: {  	v3 =	vld.idx.msk [tilespmem:v1+s10+$0x0], $0xffff;
	_ =	sdelay $0x3  }
0x37: {  	s25 =	sadd.s32 $0x10, s16  }
0x38: {  	[tilespmem:s25+$0x0] =	vst v3  }
0x39: {  	v1 =	vld.idx.msk [tilespmem:v1+s11+$0x0], $0xffff;
	_ =	sdelay $0x3  }
0x3a: {  	s26 =	sadd.s32 $0x10, s13  }
0x3b: {  	s28 =	simm.s32 $0x2;
	s10 =	simm.s32 $0x0;
	v3 =	vlaneseq.u32;
	[tilespmem:s26+$0x0] =	vst v1  }
0x3c: {  	v4 =	vmov s10;
	v3 =	vmul.u32 $0x80, v3;
	[tilespmem:s10], [sflag:$0x2] =	stream.linear.gather [hbm4b:s14+s10], $0x8000, $0x38;
	[tilespmem:$0x10980] =	vst v63  }
0x3d: {  	v4 =	vshll.u32 v4, $0x7;
	_ =	swait.ge [sflag:s28], $0x8000  }
0x3e: {  	v4 =	vor.u32 v3, v4;
	[sflag:s28] =	ssyncset.done $0x0  }
0x3f: {  	s11 =	simm.s32 $0x8000;
	v4 =	vadd.s32 v0, v4;
	[sflag:s28] =	ssyncadd.s32 $0xFFFF8000  }
0x40: {  	[tilespmem:s11], [sflag:$0x2] =	stream.linear.gather [hbm4b:s12+s10], $0x8000, $0x38;
	[tilespmem:$0x10980] =	vst v63  }
0x41: {  	_ =	swait.ge [sflag:s28], $0x8000  }
0x42: {  	[sflag:s28] =	ssyncset.done $0x0  }
0x43: {  	[sflag:s28] =	ssyncadd.s32 $0xFFFF8000  }
0x44: {  	v6 =	vld.idx.msk [tilespmem:v4+s10+$0x0], $0xffff;
	_ =	sdelay $0x2  }
0x45: {  	s29 =	simm.s32 $0x10  }
0x46: {  	s30 =	simm.s32 $0x10100;
	v7 =	vmov s29  }
0x47: {  	[tilespmem:s30+$0x0] =	vst v6;
	v6 =	vshll.u32 v7, $0x7  }
0x48: {  	v7 =	vld.idx.msk [tilespmem:v4+s11+$0x0], $0xffff;
	v4 =	vor.u32 v3, v6  }
0x49: {  	v4 =	vadd.s32 v0, v4;
	_ =	sdelay $0x2  }
0x4a: {  	s12 =	simm.s32 $0x10500  }
0x4b: {  	[tilespmem:s12+$0x0] =	vst v7  }
0x4c: {  	v6 =	vld.idx.msk [tilespmem:v4+s10+$0x0], $0xffff;
	_ =	sdelay $0x2  }
0x4d: {  	v2 =	vadd.s32 v2, v5  }
0x4e: {  	s31 =	simm.s32 $0x20;
	s13 =	simm.s32 $0x10110;
	v1 =	vadd.s32 v2, v1  }
0x4f: {  	v2 =	vmov s31;
	s14 =	simm.s32 $0x30;
	v1 =	vadd.s32 v1, v7;
	[tilespmem:s13+$0x0] =	vst v6  }
.LBB2_4:
0x50: {  	p0 =	sne.s32 s14, $0xF0;
	v2 =	vshll.u32 v2, $0x7;
	v5 =	vld.idx.msk [tilespmem:v4+s11+$0x0], $0xffff  }
0x51: {  	v2 =	vor.u32 v3, v2  }
0x52: {  	v4 =	vadd.s32 v0, v2;
	_ =	sdelay $0x2  }
0x53: {  	s12 =	sadd.s32 $0x10, s12  }
0x54: {  	v1 =	vadd.s32 v1, v5;
	[tilespmem:s12+$0x0] =	vst v5  }
0x55: {  	v5 =	vld.idx.msk [tilespmem:v4+s10+$0x0], $0xffff;
	_ =	sdelay $0x1  }
.Ltmp2:
0x56: {  	(pc) =	sbr.rel @p0 .LBB2_4-.Ltmp2, $3  }
0x57: {  	_ =	sdelay $0x1  }
0x58: {  	s13 =	sadd.s32 $0x10, s13  }
0x59: {  	v2 =	vmov s14;
	s14 =	sadd.s32 $0x10, s14;
	[tilespmem:s13+$0x0] =	vst v5  }
0x5a: {  	_ =	sdelay $0x2  }
0x5b: {  	v2 =	vshll.u32 v2, $0x7  }
0x5c: {  	v4 =	vld.idx.msk [tilespmem:v4+s11+$0x0], $0xffff;
	v2 =	vor.u32 v3, v2  }
0x5d: {  	v2 =	vadd.s32 v0, v2;
	_ =	sdelay $0x2  }
0x5e: {  	s12 =	sadd.s32 $0x10, s12  }
0x5f: {  	[tilespmem:s12+$0x0] =	vst v4  }
0x60: {  	v3 =	vld.idx.msk [tilespmem:v2+s10+$0x0], $0xffff;
	_ =	sdelay $0x3  }
0x61: {  	s25 =	sadd.s32 $0x10, s13  }
0x62: {  	[tilespmem:s25+$0x0] =	vst v3  }
0x63: {  	v5 =	vld.idx.msk [tilespmem:v2+s11+$0x0], $0xffff;
	_ =	sdelay $0x3  }
0x64: {  	s26 =	sadd.s32 $0x10, s12  }
0x65: {  	s28 =	simm.s32 $0x2;
	s10 =	simm.s32 $0x0;
	v2 =	vlaneseq.u32;
	[tilespmem:s26+$0x0] =	vst v5  }
0x66: {  	v3 =	vmov s10;
	v2 =	vmul.u32 $0x80, v2;
	[tilespmem:s10], [sflag:$0x2] =	stream.linear.gather [hbm4b:s9+s10], $0x8000, $0x38;
	[tilespmem:$0x10980] =	vst v63  }
0x67: {  	v3 =	vshll.u32 v3, $0x7;
	_ =	swait.ge [sflag:s28], $0x8000  }
0x68: {  	v3 =	vor.u32 v2, v3;
	[sflag:s28] =	ssyncset.done $0x0  }
0x69: {  	v3 =	vadd.s32 v0, v3;
	s9 =	simm.s32 $0x8000;
	[sflag:s28] =	ssyncadd.s32 $0xFFFF8000  }
0x6a: {  	[tilespmem:s9], [sflag:$0x2] =	stream.linear.gather [hbm4b:s8+s10], $0x8000, $0x38;
	[tilespmem:$0x10980] =	vst v63  }
0x6b: {  	_ =	swait.ge [sflag:s28], $0x8000  }
0x6c: {  	[sflag:s28] =	ssyncset.done $0x0  }
0x6d: {  	[sflag:s28] =	ssyncadd.s32 $0xFFFF8000  }
0x6e: {  	v6 =	vld.idx.msk [tilespmem:v3+s10+$0x0], $0xffff;
	_ =	sdelay $0x2  }
0x6f: {  	s29 =	simm.s32 $0x10  }
0x70: {  	s30 =	simm.s32 $0x10200;
	v7 =	vmov s29  }
0x71: {  	[tilespmem:s30+$0x0] =	vst v6;
	v6 =	vshll.u32 v7, $0x7  }
0x72: {  	v7 =	vld.idx.msk [tilespmem:v3+s9+$0x0], $0xffff;
	v3 =	vor.u32 v2, v6  }
0x73: {  	v3 =	vadd.s32 v0, v3;
	_ =	sdelay $0x2  }
0x74: {  	s8 =	simm.s32 $0x10600  }
0x75: {  	[tilespmem:s8+$0x0] =	vst v7  }
0x76: {  	v6 =	vld.idx.msk [tilespmem:v3+s10+$0x0], $0xffff;
	_ =	sdelay $0x2  }
0x77: {  	v1 =	vadd.s32 v1, v4  }
0x78: {  	s31 =	simm.s32 $0x20;
	s11 =	simm.s32 $0x10210;
	v1 =	vadd.s32 v1, v5  }
0x79: {  	v4 =	vmov s31;
	s12 =	simm.s32 $0x30;
	v1 =	vadd.s32 v1, v7;
	[tilespmem:s11+$0x0] =	vst v6  }
.LBB2_6:
0x7a: {  	p0 =	sne.s32 s12, $0xF0;
	v4 =	vshll.u32 v4, $0x7;
	v5 =	vld.idx.msk [tilespmem:v3+s9+$0x0], $0xffff  }
0x7b: {  	v3 =	vor.u32 v2, v4  }
0x7c: {  	v3 =	vadd.s32 v0, v3;
	_ =	sdelay $0x2  }
0x7d: {  	s8 =	sadd.s32 $0x10, s8  }
0x7e: {  	v1 =	vadd.s32 v1, v5;
	[tilespmem:s8+$0x0] =	vst v5  }
0x7f: {  	v5 =	vld.idx.msk [tilespmem:v3+s10+$0x0], $0xffff;
	_ =	sdelay $0x1  }
.Ltmp3:
0x80: {  	(pc) =	sbr.rel @p0 .LBB2_6-.Ltmp3, $3  }
0x81: {  	_ =	sdelay $0x1  }
0x82: {  	s11 =	sadd.s32 $0x10, s11  }
0x83: {  	v4 =	vmov s12;
	s12 =	sadd.s32 $0x10, s12;
	[tilespmem:s11+$0x0] =	vst v5  }
0x84: {  	_ =	sdelay $0x2  }
0x85: {  	v4 =	vshll.u32 v4, $0x7  }
0x86: {  	v5 =	vld.idx.msk [tilespmem:v3+s9+$0x0], $0xffff;
	v2 =	vor.u32 v2, v4  }
0x87: {  	v2 =	vadd.s32 v0, v2;
	_ =	sdelay $0x2  }
0x88: {  	s8 =	sadd.s32 $0x10, s8  }
0x89: {  	[tilespmem:s8+$0x0] =	vst v5  }
0x8a: {  	v3 =	vld.idx.msk [tilespmem:v2+s10+$0x0], $0xffff;
	_ =	sdelay $0x3  }
0x8b: {  	s26 =	sadd.s32 $0x10, s11  }
0x8c: {  	[tilespmem:s26+$0x0] =	vst v3  }
0x8d: {  	v4 =	vld.idx.msk [tilespmem:v2+s9+$0x0], $0xffff;
	_ =	sdelay $0x3  }
0x8e: {  	s8 =	sadd.s32 $0x10, s8  }
0x8f: {  	s28 =	simm.s32 $0x2;
	v2 =	vlaneseq.u32;
	[tilespmem:s8+$0x0] =	vst v4;
	s8 =	simm.s32 $0x0  }
0x90: {  	v2 =	vmul.u32 $0x80, v2;
	[tilespmem:s8], [sflag:$0x2] =	stream.linear.gather [hbm4b:s7+s8], $0x8000, $0x38;
	v3 =	vmov s8;
	[tilespmem:$0x10980] =	vst v63  }
0x91: {  	_ =	swait.ge [sflag:s28], $0x8000;
	v3 =	vshll.u32 v3, $0x7  }
0x92: {  	[sflag:s28] =	ssyncset.done $0x0;
	v3 =	vor.u32 v2, v3  }
0x93: {  	s7 =	simm.s32 $0x8000;
	[sflag:s28] =	ssyncadd.s32 $0xFFFF8000;
	v3 =	vadd.s32 v0, v3  }
0x94: {  	[tilespmem:s7], [sflag:$0x2] =	stream.linear.gather [hbm4b:s6+s8], $0x8000, $0x38;
	[tilespmem:$0x10980] =	vst v63  }
0x95: {  	_ =	swait.ge [sflag:s28], $0x8000  }
0x96: {  	[sflag:s28] =	ssyncset.done $0x0  }
0x97: {  	[sflag:s28] =	ssyncadd.s32 $0xFFFF8000  }
0x98: {  	v6 =	vld.idx.msk [tilespmem:v3+s8+$0x0], $0xffff;
	_ =	sdelay $0x2  }
0x99: {  	s29 =	simm.s32 $0x10  }
0x9a: {  	s30 =	simm.s32 $0x10300;
	v7 =	vmov s29  }
0x9b: {  	[tilespmem:s30+$0x0] =	vst v6;
	v6 =	vshll.u32 v7, $0x7  }
0x9c: {  	v7 =	vld.idx.msk [tilespmem:v3+s7+$0x0], $0xffff;
	v3 =	vor.u32 v2, v6  }
0x9d: {  	v3 =	vadd.s32 v0, v3;
	_ =	sdelay $0x2  }
0x9e: {  	s6 =	simm.s32 $0x10700  }
0x9f: {  	[tilespmem:s6+$0x0] =	vst v7  }
0xa0: {  	v6 =	vld.idx.msk [tilespmem:v3+s8+$0x0], $0xffff;
	_ =	sdelay $0x2  }
0xa1: {  	v1 =	vadd.s32 v1, v5  }
0xa2: {  	s31 =	simm.s32 $0x20;
	s9 =	simm.s32 $0x10310;
	v1 =	vadd.s32 v1, v4  }
0xa3: {  	s10 =	simm.s32 $0x30;
	v4 =	vmov s31;
	v1 =	vadd.s32 v1, v7;
	[tilespmem:s9+$0x0] =	vst v6  }
.LBB2_8:
0xa4: {  	p0 =	sne.s32 s10, $0xF0;
	v4 =	vshll.u32 v4, $0x7;
	v5 =	vld.idx.msk [tilespmem:v3+s7+$0x0], $0xffff  }
0xa5: {  	v3 =	vor.u32 v2, v4  }
0xa6: {  	v3 =	vadd.s32 v0, v3;
	_ =	sdelay $0x2  }
0xa7: {  	s6 =	sadd.s32 $0x10, s6  }
0xa8: {  	v1 =	vadd.s32 v1, v5;
	[tilespmem:s6+$0x0] =	vst v5  }
0xa9: {  	v5 =	vld.idx.msk [tilespmem:v3+s8+$0x0], $0xffff;
	_ =	sdelay $0x1  }
.Ltmp4:
0xaa: {  	(pc) =	sbr.rel @p0 .LBB2_8-.Ltmp4, $3  }
0xab: {  	_ =	sdelay $0x1  }
0xac: {  	s9 =	sadd.s32 $0x10, s9  }
0xad: {  	v4 =	vmov s10;
	s10 =	sadd.s32 $0x10, s10;
	[tilespmem:s9+$0x0] =	vst v5  }
0xae: {  	_ =	sdelay $0x2  }
0xaf: {  	v4 =	vshll.u32 v4, $0x7  }
0xb0: {  	v3 =	vld.idx.msk [tilespmem:v3+s7+$0x0], $0xffff;
	v2 =	vor.u32 v2, v4  }
0xb1: {  	v0 =	vadd.s32 v0, v2;
	_ =	sdelay $0x2  }
0xb2: {  	s6 =	sadd.s32 $0x10, s6  }
0xb3: {  	[tilespmem:s6+$0x0] =	vst v3  }
0xb4: {  	v2 =	vld.idx.msk [tilespmem:v0+s8+$0x0], $0xffff;
	_ =	sdelay $0x3  }
0xb5: {  	s26 =	sadd.s32 $0x10, s9  }
0xb6: {  	[tilespmem:s26+$0x0] =	vst v2  }
0xb7: {  	v0 =	vld.idx.msk [tilespmem:v0+s7+$0x0], $0xffff;
	_ =	sdelay $0x3  }
0xb8: {  	s6 =	sadd.s32 $0x10, s6  }
0xb9: {  	s28 =	simm.s32 $0x0;
	s29 =	simm.s32 $0x10000;
	s30 =	simm.s32 $0x2;
	[tilespmem:s6+$0x0] =	vst v0  }
0xba: {  	[hbm4b:s5+s28] =	stream.linear.scatter [tilespmem:s29], [sflag:$0x2], $0x400, $0x38;
	[tilespmem:$0x10980] =	vst v63  }
0xbb: {  	_ =	swait.ge [sflag:s30], $0x400  }
0xbc: {  	[sflag:s30] =	ssyncset.done $0x0  }
0xbd: {  	s31 =	simm.s32 $0x10400;
	[sflag:s30] =	ssyncadd.s32 $0xFFFFFC00  }
0xbe: {  	v1 =	vadd.s32 v1, v3;
	[hbm4b:s4+s28] =	stream.linear.scatter [tilespmem:s31], [sflag:$0x2], $0x400, $0x38;
	[tilespmem:$0x10980] =	vst v63  }
0xbf: {  	v0 =	vadd.s32 v1, v0;
	_ =	swait.ge [sflag:s30], $0x400  }
0xc0: {  	(xrf0) =	vadd.scan.msk.s32 $0xffff, v0;
	_ =	sdelay $0x5  }
0xc1: {  	v0, _, _ =	vpop (xrf0)  }
0xc2: {  	(v2sf) =	vpush v0, $0xF;
	_ =	sdelay $0xd  }
0xc3: {  	[sflag:s30] =	ssyncset.done $0x0  }
0xc4: {  	p0 =	sne.s32 s2, $0x0;
	[sflag:s30] =	ssyncadd.s32 $0xFFFFFC00;
	s4 =	spop (v2sf)  }
0xc5: {  	s5 =	simm.s32 @p0 $0x1;
	[bflag:$0x0] =	sbarrier.arrive @p0 $0xFFFF  }
0xc6: {  	s6 =	simm.s32 @p0 $0x0;
	[sflag:s5] =	ssyncset.done @p0 $0x0  }
0xc7: {  	[smem:s6], [sflag:$0x1] =	smem.add.s32 @p0 s4  }
0xc8: {  	_ =	swait.done @p0 [sflag:s5]  }
0xc9: {  	[sflag:s5] =	ssyncset.s32 @p0 $0x0  }
0xca: {  	[sflag:s5] =	ssyncset.done @p0 $0x0  }
0xcb: {  	s5 =	simm.s32 @!p0 $0x0;
	[bflag:$0x0] =	sbarrier.arrive @p0 $0xFFFF  }
0xcc: {  	[smem:$0x0] =	sst @!p0 s5  }
0xcd: {  	s6 =	simm.s32 @!p0 $0x1;
	[bflag:$0x0] =	sbarrier.arrive @!p0 $0xFFFF  }
0xce: {  	[sflag:s6] =	ssyncset.done @!p0 $0x0  }
0xcf: {  	[smem:s5], [sflag:$0x1] =	smem.add.s32 @!p0 s4  }
0xd0: {  	_ =	swait.done @!p0 [sflag:s6]  }
0xd1: {  	[sflag:s6] =	ssyncset.s32 @!p0 $0x0  }
0xd2: {  	[sflag:s6] =	ssyncset.done @!p0 $0x0  }
0xd3: {  	[bflag:$0x0] =	sbarrier.arrive @!p0 $0xFFFF  }
0xd4: {  	s4 =	sld @!p0 [smem:$0x0];
	_ =	sdelay $0x2  }
0xd5: {  	s7 =	scvt.s32.f32 @!p0 s4;
	p1 =	sgt.s32 @!p0 s4, $0x0  }
0xd6: {  	p1 =	por !p1, p0  }
0xd7: {  	v0 =	vmov @!p0 s7;
	s6 =	simm.s32 @p1 $0x0  }
0xd8: {  	[tilespmem:$0x10880] =	vst @!p0 v0;
	v0 =	vmov @!p0 s6  }
0xd9: {  	s4 =	simm.s32 @!p0 $0x10880;
	[tilespmem:$0x10900] =	vst @!p0 v0  }
0xda: {  	[hbm4b:s3+s5] =	stream.linear.scatter @!p0 [tilespmem:s4], [sflag:$0x2], $0x80, $0x38;
	[tilespmem:$0x10980] =	vst v63  }
0xdb: {  	s3 =	simm.s32 @!p0 $0x2  }
0xdc: {  	_ =	swait.ge @!p0 [sflag:s3], $0x80  }
0xdd: {  	[sflag:s3] =	ssyncset.done @!p0 $0x0  }
0xde: {  	s4 =	simm.s32 @!p0 $0x10900;
	[sflag:s3] =	ssyncadd.s32 @!p0 $0xFFFFFF80  }
0xdf: {  	[hbm4b:s1+s5] =	stream.linear.scatter @!p0 [tilespmem:s4], [sflag:$0x2], $0x80, $0x38;
	[tilespmem:$0x10980] =	vst v63  }
0xe0: {  	_ =	swait.ge @!p0 [sflag:s3], $0x80  }
0xe1: {  	[sflag:s3] =	ssyncset.done @!p0 $0x0  }
0xe2: {  	[sflag:s3] =	ssyncadd.s32 @!p0 $0xFFFFFF80  }
.LBB2_10:
0xe3: {  	_ =	sfence.sel $0x180000  }
0xe4: {  	[bflag:$0x0] =	sbarrier.arrive $0xFFFF  }
0xe5: {  	p0 =	sne.s32 s2, $0x0;
	_ =	strace $0x90000047  }
0xe6: {  	s0 =	sadd.s32 @!p0 $0x100000, s0;
	[bflag:$0x2] =	sbarrier.arrive $0xFFFF  }
0xe7: {  	[sflag:s0] =	ssyncadd.tile.s32 @!p0 $0x1;
	_ =	shalt  }
.Lfunc_end2:
_tile_overlayer_lowered:
.L_overlay_start_2:
0xe8: {  	(tag) =	ssettag $0x2  }
0xe9: {  	s0 =	rddreg [dreg:$0x0];
	s2 =	stileid.u32  }
0xea: {  	s1 =	rddreg [dreg:$0x1];
	p0 =	sne.s32 s2, $0x0  }
0xeb: {  	s3 =	rddreg [dreg:$0x2];
	[bflag:$0x3] =	sbarrier.arrive $0xFFFF;
	s2 =	simm.s32 @!p0 $0x1C01  }
0xec: {  	[timem:s3], [sflag:s2] =	dma.local @!p0 [hbm:s0], s1  }
0xed: {  	s0 =	simm.s32 @!p0 $0x1  }
0xee: {  	_ =	swait.ge @!p0 [sflag:s0], s1  }
0xef: {  	s1 =	ssub.s32 @!p0 $0x0, s1;
	[sflag:s0] =	ssyncset.done @!p0 $0x0  }
0xf0: {  	[sflag:s0] =	ssyncadd.s32 @!p0 s1  }
0xf1: {  	[bflag:$0x3] =	sbarrier.arrive $0xFFFF  }
0xf2: {  	_ =	shalt  }

</sc_bundles>
